<compile_context>
chip_gen: v7x
topology: tpu7x:2x2x1
jax: 0.10.2.dev20260603
libtpu: 0.0.44.dev20260713+nightly
codegen_flags: <defaults>
</compile_context>

<pallas_src>
import functools

import jax
import jax.numpy as jnp
from jax import lax
from jax.experimental import pallas as pl
from jax.experimental.pallas import tpu as pltpu
from jax.experimental.pallas import tpu_sc as plsc

D = 4096
HALF = D // 2
QUAD = D // 4
NC = 1
NW = NC * 16
PASS_W = HALF // NW
ROT_W = QUAD // NW
LANES = 16

TWO_PI = 6.283185307179586
INV_TWO_PI = 0.15915494309189535

_SIN_COEFFS = (
    1.0 / 6227020800.0,
    -1.0 / 39916800.0,
    1.0 / 362880.0,
    -1.0 / 5040.0,
    1.0 / 120.0,
    -1.0 / 6.0,
    1.0,
)
_COS_COEFFS = (
    -1.0 / 87178291200.0,
    1.0 / 479001600.0,
    -1.0 / 3628800.0,
    1.0 / 40320.0,
    -1.0 / 720.0,
    1.0 / 24.0,
    -0.5,
    1.0,
)


def _cry_body(x_hbm, ang_hbm, out_hbm, ang_v, xp_v, xj_v, xk_v, yj_v, yk_v,
              a_sem, jk_sem, p_sem, out_sem):
    wid = lax.axis_index("s") * NC + lax.axis_index("c")

    pbase = wid * PASS_W
    jbase = HALF + wid * ROT_W
    kbase = HALF + QUAD + wid * ROT_W

    cp_j = pltpu.make_async_copy(
        x_hbm.at[pl.ds(jbase, ROT_W)], xj_v, jk_sem)
    cp_k = pltpu.make_async_copy(
        x_hbm.at[pl.ds(kbase, ROT_W)], xk_v, jk_sem)
    cp_a = pltpu.make_async_copy(ang_hbm, ang_v.at[pl.ds(0, 1)], a_sem)
    cp_p = pltpu.make_async_copy(
        x_hbm.at[pl.ds(pbase, PASS_W)], xp_v, p_sem)
    cp_j.start()
    cp_k.start()
    cp_a.start()
    cp_p.start()
    cp_a.wait()

    zeros16 = lax.iota(jnp.int32, LANES) * 0
    dnums = lax.GatherDimensionNumbers(
        offset_dims=(), collapsed_slice_dims=(0,), start_index_map=(0,))
    ang_bcast = lax.gather(
        ang_v[...], zeros16[:, None], dnums, (1,),
        mode=lax.GatherScatterMode.PROMISE_IN_BOUNDS)
    theta = ang_bcast * 0.5
    t = theta * INV_TWO_PI
    n = (t + jnp.where(t >= 0.0, 0.5, -0.5)).astype(jnp.int32)
    r = theta - n.astype(jnp.float32) * TWO_PI
    r2 = r * r
    s = jnp.float32(_SIN_COEFFS[0])
    for coef in _SIN_COEFFS[1:]:
        s = s * r2 + coef
    s = s * r
    c = jnp.float32(_COS_COEFFS[0])
    for coef in _COS_COEFFS[1:]:
        c = c * r2 + coef

    cp_j.wait()
    cp_k.wait()
    for v in range(ROT_W // LANES):
        sl = pl.ds(v * LANES, LANES)
        xj = xj_v[sl]
        xk = xk_v[sl]
        yj_v[sl] = c * xj - s * xk
        yk_v[sl] = c * xk - s * xj

    cp_jo = pltpu.make_async_copy(yj_v, out_hbm.at[pl.ds(jbase, ROT_W)], out_sem)
    cp_ko = pltpu.make_async_copy(yk_v, out_hbm.at[pl.ds(kbase, ROT_W)], out_sem)
    cp_jo.start()
    cp_ko.start()
    cp_p.wait()
    cp_po = pltpu.make_async_copy(
        xp_v, out_hbm.at[pl.ds(pbase, PASS_W)], out_sem)
    cp_po.start()
    cp_jo.wait()
    cp_ko.wait()
    cp_po.wait()


@jax.jit
def _cry_real(xf, ang):
    mesh = plsc.VectorSubcoreMesh(
        core_axis_name="c", subcore_axis_name="s", num_cores=NC)
    return pl.kernel(
        _cry_body,
        out_type=jax.ShapeDtypeStruct((D,), jnp.float32),
        mesh=mesh,
        scratch_types=[
            pltpu.VMEM((LANES,), jnp.float32),
            pltpu.VMEM((PASS_W,), jnp.float32),
            pltpu.VMEM((ROT_W,), jnp.float32),
            pltpu.VMEM((ROT_W,), jnp.float32),
            pltpu.VMEM((ROT_W,), jnp.float32),
            pltpu.VMEM((ROT_W,), jnp.float32),
            pltpu.SemaphoreType.DMA,
            pltpu.SemaphoreType.DMA,
            pltpu.SemaphoreType.DMA,
            pltpu.SemaphoreType.DMA,
        ],
    )(xf, ang)


def kernel(x, angle):
    xf = x.reshape(D)
    real = _cry_real(xf, angle.reshape(1))
    return real.astype(jnp.complex64).reshape(D, 1)

# --- scband reference (transcript-rebuilt; emitter-appended) ---
"""Pipeline reference for scband-cry-50259707298076 (READ-ONLY COPY).

The authoritative reference and input builder live on the scoring server;
editing this copy changes nothing except your own understanding.
"""

import jax, jax.numpy as jnp
import numpy as np

DIM = 2
WIRES = 12
INDEX = [0, 1]
J = 0
K = 1


def dec2den(m, n, d):
    den = []
    for i in range(n):
        p = d ** (n - 1 - i)
        den.append(m // p)
        m = m % p
    return den


def den2dec(local, d):
    n = len(local)
    s = 0
    for i in range(n):
        s += local[i] * d ** (n - 1 - i)
    return s


def setup_inputs(seed: int = 0) -> dict:
    key = jax.random.key(seed)
    k1, k2 = jax.random.split(key)
    D = DIM ** WIRES
    x = jax.random.normal(k1, (D, 1), dtype=jnp.float32)
    angle = jnp.pi * jax.random.normal(k2, (1,), dtype=jnp.float32)
    return {"x": x, "angle": angle}


def reference(x, angle):
    c = INDEX[0]
    t = INDEX[1]
    jd = J  # (j+1)-1 in original code
    kd = K  # (k+1)-1 in original code
    D = DIM ** WIRES
    Dl = D // DIM
    if c < t:
        c_local = c
    else:
        c_local = c - 1
    intj_list, intk_list, mult_list = [], [], []
    extra_list = []
    for m in range(Dl):
        local = dec2den(m, WIRES - 1, DIM)
        mult_list.append(local[c_local])
        listj = local.copy()
        listj.insert(t, jd)
        intj_list.append(den2dec(listj, DIM))
        listk = local.copy()
        listk.insert(t, kd)
        intk_list.append(den2dec(listk, DIM))
        for l in range(DIM):
            if l != jd and l != kd:
                listl = local.copy()
                listl.insert(t, l)
                extra_list.append(den2dec(listl, DIM))
    intj_arr = np.asarray(intj_list, dtype=np.int32)
    intk_arr = np.asarray(intk_list, dtype=np.int32)
    mult_arr = jnp.asarray(np.asarray(mult_list, dtype=np.float32))
    angles = mult_arr * angle[0] / 2.0
    cosv = jnp.cos(angles)
    sinv = jnp.sin(angles)
    rows = np.concatenate([intj_arr, intk_arr, intj_arr, intk_arr])
    cols = np.concatenate([intj_arr, intk_arr, intk_arr, intj_arr])
    vals = jnp.concatenate([cosv, cosv, -sinv, -sinv]).astype(jnp.complex64)
    if len(extra_list) > 0:
        extra_arr = np.asarray(extra_list, dtype=np.int32)
        rows = np.concatenate([rows, extra_arr])
        cols = np.concatenate([cols, extra_arr])
        vals = jnp.concatenate([vals, jnp.ones((len(extra_list),), dtype=jnp.complex64)])
    mask = (rows >= 0) & (cols >= 0)
    rows = rows[mask]
    cols = cols[mask]
    vals = vals[mask]
    U = jnp.zeros((D, D), dtype=jnp.complex64).at[rows, cols].set(vals)
    return U @ x.astype(jnp.complex64)

if __name__ == "__main__":
    import jax
    _d = setup_inputs()
    print(jax.jit(kernel)(*tuple(_d.values())))

</pallas_src>

<mosaic_0001>
#map = affine_map<(d0, d1) -> (0)>
module attributes {stable_mosaic.version = 14 : i64} {
  func.func @_cry_body(%arg0: i32, %arg1: i32, %arg2: memref<4096xf32, #tpu.memory_space<hbm>>, %arg3: memref<1xf32, #tpu.memory_space<hbm>>, %arg4: memref<4096xf32, #tpu.memory_space<hbm>>, %arg5: memref<16xf32, #tpu.memory_space<vmem>>, %arg6: memref<128xf32, #tpu.memory_space<vmem>>, %arg7: memref<64xf32, #tpu.memory_space<vmem>>, %arg8: memref<64xf32, #tpu.memory_space<vmem>>, %arg9: memref<64xf32, #tpu.memory_space<vmem>>, %arg10: memref<64xf32, #tpu.memory_space<vmem>>, %arg11: memref<!tpu.dma_semaphore, #tpu.memory_space<semaphore_mem>>, %arg12: memref<!tpu.dma_semaphore, #tpu.memory_space<semaphore_mem>>, %arg13: memref<!tpu.dma_semaphore, #tpu.memory_space<semaphore_mem>>, %arg14: memref<!tpu.dma_semaphore, #tpu.memory_space<semaphore_mem>>) attributes {dimension_semantics = [#tpu.dimension_semantics<core_parallel>, #tpu.dimension_semantics<subcore_parallel>], iteration_bounds = array<i64: 1, 16>, scalar_prefetch = 0 : i64, scratch_operands = 10 : i64, tpu.core_type = #tpu.core_type<sc_vector_subcore>, window_params = [{transform_indices = #map}, {transform_indices = #map}, {transform_indices = #map}]} {
    %mul3A = arith.constant 1 : i32
    %mul3A_0 = arith.muli %arg1, %mul3A : i32
    %add3A = arith.addi %mul3A_0, %arg0 : i32
    %mul3A_1 = arith.constant 128 : i32
    %mul3A_2 = arith.muli %add3A, %mul3A_1 : i32
    %mul3A_3 = arith.constant 64 : i32
    %mul3A_4 = arith.muli %add3A, %mul3A_3 : i32
    %add3A_5 = arith.constant 2048 : i32
    %add3A_6 = arith.addi %add3A_5, %mul3A_4 : i32
    %mul3A_7 = arith.constant 64 : i32
    %mul3A_8 = arith.muli %add3A, %mul3A_7 : i32
    %add3A_9 = arith.constant 3072 : i32
    %add3A_10 = arith.addi %add3A_9, %mul3A_8 : i32
    %dma_start3A = tpu.memref_slice %arg2[%add3A_6] : memref<4096xf32, #tpu.memory_space<hbm>> -> memref<64xf32, #tpu.memory_space<hbm>>
    %dma_start3A_11 = tpu.memref_slice %arg2[%add3A_6] : memref<4096xf32, #tpu.memory_space<hbm>> -> memref<64xf32, #tpu.memory_space<hbm>>
    tpu.enqueue_dma source(%dma_start3A_11 : memref<64xf32, #tpu.memory_space<hbm>>) target(%arg7 : memref<64xf32, #tpu.memory_space<vmem>>) target_semaphore(%arg12 : memref<!tpu.dma_semaphore, #tpu.memory_space<semaphore_mem>>)
    %dma_start3A_12 = tpu.memref_slice %arg2[%add3A_10] : memref<4096xf32, #tpu.memory_space<hbm>> -> memref<64xf32, #tpu.memory_space<hbm>>
    %dma_start3A_13 = tpu.memref_slice %arg2[%add3A_10] : memref<4096xf32, #tpu.memory_space<hbm>> -> memref<64xf32, #tpu.memory_space<hbm>>
    tpu.enqueue_dma source(%dma_start3A_13 : memref<64xf32, #tpu.memory_space<hbm>>) target(%arg8 : memref<64xf32, #tpu.memory_space<vmem>>) target_semaphore(%arg12 : memref<!tpu.dma_semaphore, #tpu.memory_space<semaphore_mem>>)
    %dma_start3A_14 = arith.constant 0 : i32
    %dma_start3A_15 = tpu.memref_slice %arg5[%dma_start3A_14] : memref<16xf32, #tpu.memory_space<vmem>> -> memref<1xf32, #tpu.memory_space<vmem>>
    %dma_start3A_16 = arith.constant 0 : i32
    %dma_start3A_17 = tpu.memref_slice %arg5[%dma_start3A_16] : memref<16xf32, #tpu.memory_space<vmem>> -> memref<1xf32, #tpu.memory_space<vmem>>
    tpu.enqueue_dma source(%arg3 : memref<1xf32, #tpu.memory_space<hbm>>) target(%dma_start3A_17 : memref<1xf32, #tpu.memory_space<vmem>>) target_semaphore(%arg11 : memref<!tpu.dma_semaphore, #tpu.memory_space<semaphore_mem>>)
    %dma_start3A_18 = tpu.memref_slice %arg2[%mul3A_2] : memref<4096xf32, #tpu.memory_space<hbm>> -> memref<128xf32, #tpu.memory_space<hbm>>
    %dma_start3A_19 = tpu.memref_slice %arg2[%mul3A_2] : memref<4096xf32, #tpu.memory_space<hbm>> -> memref<128xf32, #tpu.memory_space<hbm>>
    tpu.enqueue_dma source(%dma_start3A_19 : memref<128xf32, #tpu.memory_space<hbm>>) target(%arg6 : memref<128xf32, #tpu.memory_space<vmem>>) target_semaphore(%arg13 : memref<!tpu.dma_semaphore, #tpu.memory_space<semaphore_mem>>)
    %dma_wait3A = arith.constant 0 : i32
    %dma_wait3A_20 = tpu.memref_slice %arg5[%dma_wait3A] : memref<16xf32, #tpu.memory_space<vmem>> -> memref<1xf32, #tpu.memory_space<vmem>>
    %dma_wait3A_21 = arith.constant 0 : i32
    %dma_wait3A_22 = tpu.memref_slice %arg5[%dma_wait3A_21] : memref<16xf32, #tpu.memory_space<vmem>> -> memref<1xf32, #tpu.memory_space<vmem>>
    tpu.wait_dma2 semaphore(%arg11 : memref<!tpu.dma_semaphore, #tpu.memory_space<semaphore_mem>>) src(%arg3 : memref<1xf32, #tpu.memory_space<hbm>>) dst(%dma_wait3A_22 : memref<1xf32, #tpu.memory_space<vmem>>)
    %iota3A = tpu.iota {dimensions = array<i32: 0>} : vector<16xi32>
    %mul3A_23 = arith.constant 0 : i32
    %mul3A_24 = vector.broadcast %mul3A_23 : i32 to vector<16xi32>
    %mul3A_25 = arith.muli %iota3A, %mul3A_24 : vector<16xi32>
    %get3A = arith.constant 0 : index
    %get3A_26 = tpu.vector_load %arg5[%get3A] {strides = array<i32>} : memref<16xf32, #tpu.memory_space<vmem>>, vector<16xf32>,
    %get3A_27 = vector.shape_cast %get3A_26 : vector<16xf32> to vector<16xf32>
    %broadcast_in_dim3A = vector.shape_cast %mul3A_25 : vector<16xi32> to vector<16x1xi32>
    %gather3A = vector.shape_cast %broadcast_in_dim3A : vector<16x1xi32> to vector<16xi32>
    %gather3A_28 = tpu.dynamic_gather %get3A_27[%gather3A] in [0] : vector<16xf32>, vector<16xi32> -> vector<16xf32>
    %mul3A_29 = arith.constant 5.000000e-01 : f32
    %mul3A_30 = vector.broadcast %mul3A_29 : f32 to vector<16xf32>
    %mul3A_31 = arith.mulf %gather3A_28, %mul3A_30 : vector<16xf32>
    %mul3A_32 = arith.constant 0.159154937 : f32
    %mul3A_33 = vector.broadcast %mul3A_32 : f32 to vector<16xf32>
    %mul3A_34 = arith.mulf %mul3A_31, %mul3A_33 : vector<16xf32>
    %ge3A = arith.constant 0.000000e+00 : f32
    %ge3A_35 = vector.broadcast %ge3A : f32 to vector<16xf32>
    %ge3A_36 = arith.cmpf oge, %mul3A_34, %ge3A_35 : vector<16xf32>
    %jit3A = arith.constant 5.000000e-01 : f32
    %jit3A_37 = arith.constant -5.000000e-01 : f32
    %broadcast_in_dim3A_38 = vector.broadcast %jit3A : f32 to vector<16xf32>
    %broadcast_in_dim3A_39 = vector.broadcast %jit3A_37 : f32 to vector<16xf32>
    %select_n3A = arith.select %ge3A_36, %broadcast_in_dim3A_38, %broadcast_in_dim3A_39 : vector<16xi1>, vector<16xf32>
    %add3A_40 = arith.addf %mul3A_34, %select_n3A : vector<16xf32>
    %convert_element_type3A = arith.fptosi %add3A_40 : vector<16xf32> to vector<16xi32>
    %convert_element_type3A_41 = arith.sitofp %convert_element_type3A : vector<16xi32> to vector<16xf32>
    %mul3A_42 = arith.constant 6.28318548 : f32
    %mul3A_43 = vector.broadcast %mul3A_42 : f32 to vector<16xf32>
    %mul3A_44 = arith.mulf %convert_element_type3A_41, %mul3A_43 : vector<16xf32>
    %sub3A = arith.subf %mul3A_31, %mul3A_44 : vector<16xf32>
    %mul3A_45 = arith.mulf %sub3A, %sub3A : vector<16xf32>
    %mul3A_46 = arith.constant 1.60590444E-10 : f32
    %mul3A_47 = vector.broadcast %mul3A_46 : f32 to vector<16xf32>
    %mul3A_48 = arith.mulf %mul3A_47, %mul3A_45 : vector<16xf32>
    %add3A_49 = arith.constant -2.50521079E-8 : f32
    %add3A_50 = vector.broadcast %add3A_49 : f32 to vector<16xf32>
    %add3A_51 = arith.addf %mul3A_48, %add3A_50 : vector<16xf32>
    %mul3A_52 = arith.mulf %add3A_51, %mul3A_45 : vector<16xf32>
    %add3A_53 = arith.constant 2.75573188E-6 : f32
    %add3A_54 = vector.broadcast %add3A_53 : f32 to vector<16xf32>
    %add3A_55 = arith.addf %mul3A_52, %add3A_54 : vector<16xf32>
    %mul3A_56 = arith.mulf %add3A_55, %mul3A_45 : vector<16xf32>
    %add3A_57 = arith.constant -1.98412701E-4 : f32
    %add3A_58 = vector.broadcast %add3A_57 : f32 to vector<16xf32>
    %add3A_59 = arith.addf %mul3A_56, %add3A_58 : vector<16xf32>
    %mul3A_60 = arith.mulf %add3A_59, %mul3A_45 : vector<16xf32>
    %add3A_61 = arith.constant 0.00833333377 : f32
    %add3A_62 = vector.broadcast %add3A_61 : f32 to vector<16xf32>
    %add3A_63 = arith.addf %mul3A_60, %add3A_62 : vector<16xf32>
    %mul3A_64 = arith.mulf %add3A_63, %mul3A_45 : vector<16xf32>
    %add3A_65 = arith.constant -0.166666672 : f32
    %add3A_66 = vector.broadcast %add3A_65 : f32 to vector<16xf32>
    %add3A_67 = arith.addf %mul3A_64, %add3A_66 : vector<16xf32>
    %mul3A_68 = arith.mulf %add3A_67, %mul3A_45 : vector<16xf32>
    %add3A_69 = arith.constant 1.000000e+00 : f32
    %add3A_70 = vector.broadcast %add3A_69 : f32 to vector<16xf32>
    %add3A_71 = arith.addf %mul3A_68, %add3A_70 : vector<16xf32>
    %mul3A_72 = arith.mulf %add3A_71, %sub3A : vector<16xf32>
    %mul3A_73 = arith.constant -1.14707454E-11 : f32
    %mul3A_74 = vector.broadcast %mul3A_73 : f32 to vector<16xf32>
    %mul3A_75 = arith.mulf %mul3A_74, %mul3A_45 : vector<16xf32>
    %add3A_76 = arith.constant 2.08767559E-9 : f32
    %add3A_77 = vector.broadcast %add3A_76 : f32 to vector<16xf32>
    %add3A_78 = arith.addf %mul3A_75, %add3A_77 : vector<16xf32>
    %mul3A_79 = arith.mulf %add3A_78, %mul3A_45 : vector<16xf32>
    %add3A_80 = arith.constant -2.755732E-7 : f32
    %add3A_81 = vector.broadcast %add3A_80 : f32 to vector<16xf32>
    %add3A_82 = arith.addf %mul3A_79, %add3A_81 : vector<16xf32>
    %mul3A_83 = arith.mulf %add3A_82, %mul3A_45 : vector<16xf32>
    %add3A_84 = arith.constant 2.48015876E-5 : f32
    %add3A_85 = vector.broadcast %add3A_84 : f32 to vector<16xf32>
    %add3A_86 = arith.addf %mul3A_83, %add3A_85 : vector<16xf32>
    %mul3A_87 = arith.mulf %add3A_86, %mul3A_45 : vector<16xf32>
    %add3A_88 = arith.constant -0.00138888892 : f32
    %add3A_89 = vector.broadcast %add3A_88 : f32 to vector<16xf32>
    %add3A_90 = arith.addf %mul3A_87, %add3A_89 : vector<16xf32>
    %mul3A_91 = arith.mulf %add3A_90, %mul3A_45 : vector<16xf32>
    %add3A_92 = arith.constant 0.0416666679 : f32
    %add3A_93 = vector.broadcast %add3A_92 : f32 to vector<16xf32>
    %add3A_94 = arith.addf %mul3A_91, %add3A_93 : vector<16xf32>
    %mul3A_95 = arith.mulf %add3A_94, %mul3A_45 : vector<16xf32>
    %add3A_96 = arith.constant -5.000000e-01 : f32
    %add3A_97 = vector.broadcast %add3A_96 : f32 to vector<16xf32>
    %add3A_98 = arith.addf %mul3A_95, %add3A_97 : vector<16xf32>
    %mul3A_99 = arith.mulf %add3A_98, %mul3A_45 : vector<16xf32>
    %add3A_100 = arith.constant 1.000000e+00 : f32
    %add3A_101 = vector.broadcast %add3A_100 : f32 to vector<16xf32>
    %add3A_102 = arith.addf %mul3A_99, %add3A_101 : vector<16xf32>
    %dma_wait3A_103 = tpu.memref_slice %arg2[%add3A_6] : memref<4096xf32, #tpu.memory_space<hbm>> -> memref<64xf32, #tpu.memory_space<hbm>>
    %dma_wait3A_104 = tpu.memref_slice %arg2[%add3A_6] : memref<4096xf32, #tpu.memory_space<hbm>> -> memref<64xf32, #tpu.memory_space<hbm>>
    tpu.wait_dma2 semaphore(%arg12 : memref<!tpu.dma_semaphore, #tpu.memory_space<semaphore_mem>>) src(%dma_wait3A_104 : memref<64xf32, #tpu.memory_space<hbm>>) dst(%arg7 : memref<64xf32, #tpu.memory_space<vmem>>)
    %dma_wait3A_105 = tpu.memref_slice %arg2[%add3A_10] : memref<4096xf32, #tpu.memory_space<hbm>> -> memref<64xf32, #tpu.memory_space<hbm>>
    %dma_wait3A_106 = tpu.memref_slice %arg2[%add3A_10] : memref<4096xf32, #tpu.memory_space<hbm>> -> memref<64xf32, #tpu.memory_space<hbm>>
    tpu.wait_dma2 semaphore(%arg12 : memref<!tpu.dma_semaphore, #tpu.memory_space<semaphore_mem>>) src(%dma_wait3A_106 : memref<64xf32, #tpu.memory_space<hbm>>) dst(%arg8 : memref<64xf32, #tpu.memory_space<vmem>>)
    %get3A_107 = arith.constant 0 : index
    %get3A_108 = tpu.vector_load %arg7[%get3A_107] {strides = array<i32>} : memref<64xf32, #tpu.memory_space<vmem>>, vector<16xf32>,
    %get3A_109 = vector.shape_cast %get3A_108 : vector<16xf32> to vector<16xf32>
    %get3A_110 = arith.constant 0 : index
    %get3A_111 = tpu.vector_load %arg8[%get3A_110] {strides = array<i32>} : memref<64xf32, #tpu.memory_space<vmem>>, vector<16xf32>,
    %get3A_112 = vector.shape_cast %get3A_111 : vector<16xf32> to vector<16xf32>
    %mul3A_113 = arith.mulf %add3A_102, %get3A_109 : vector<16xf32>
    %mul3A_114 = arith.mulf %mul3A_72, %get3A_112 : vector<16xf32>
    %sub3A_115 = arith.subf %mul3A_113, %mul3A_114 : vector<16xf32>
    %swap3A = arith.constant 0 : index
    %swap3A_116 = tpu.vector_load %arg9[%swap3A] {strides = array<i32>} : memref<64xf32, #tpu.memory_space<vmem>>, vector<16xf32>,
    %swap3A_117 = vector.shape_cast %swap3A_116 : vector<16xf32> to vector<16xf32>
    %swap3A_118 = vector.shape_cast %sub3A_115 : vector<16xf32> to vector<16xf32>
    tpu.vector_store %arg9[%swap3A], %swap3A_118 {strides = array<i32>} : memref<64xf32, #tpu.memory_space<vmem>>, vector<16xf32>,
    %mul3A_119 = arith.mulf %add3A_102, %get3A_112 : vector<16xf32>
    %mul3A_120 = arith.mulf %mul3A_72, %get3A_109 : vector<16xf32>
    %sub3A_121 = arith.subf %mul3A_119, %mul3A_120 : vector<16xf32>
    %swap3A_122 = arith.constant 0 : index
    %swap3A_123 = tpu.vector_load %arg10[%swap3A_122] {strides = array<i32>} : memref<64xf32, #tpu.memory_space<vmem>>, vector<16xf32>,
    %swap3A_124 = vector.shape_cast %swap3A_123 : vector<16xf32> to vector<16xf32>
    %swap3A_125 = vector.shape_cast %sub3A_121 : vector<16xf32> to vector<16xf32>
    tpu.vector_store %arg10[%swap3A_122], %swap3A_125 {strides = array<i32>} : memref<64xf32, #tpu.memory_space<vmem>>, vector<16xf32>,
    %get3A_126 = arith.constant 16 : index
    %get3A_127 = tpu.vector_load %arg7[%get3A_126] {strides = array<i32>} : memref<64xf32, #tpu.memory_space<vmem>>, vector<16xf32>,
    %get3A_128 = vector.shape_cast %get3A_127 : vector<16xf32> to vector<16xf32>
    %get3A_129 = arith.constant 16 : index
    %get3A_130 = tpu.vector_load %arg8[%get3A_129] {strides = array<i32>} : memref<64xf32, #tpu.memory_space<vmem>>, vector<16xf32>,
    %get3A_131 = vector.shape_cast %get3A_130 : vector<16xf32> to vector<16xf32>
    %mul3A_132 = arith.mulf %add3A_102, %get3A_128 : vector<16xf32>
    %mul3A_133 = arith.mulf %mul3A_72, %get3A_131 : vector<16xf32>
    %sub3A_134 = arith.subf %mul3A_132, %mul3A_133 : vector<16xf32>
    %swap3A_135 = arith.constant 16 : index
    %swap3A_136 = tpu.vector_load %arg9[%swap3A_135] {strides = array<i32>} : memref<64xf32, #tpu.memory_space<vmem>>, vector<16xf32>,
    %swap3A_137 = vector.shape_cast %swap3A_136 : vector<16xf32> to vector<16xf32>
    %swap3A_138 = vector.shape_cast %sub3A_134 : vector<16xf32> to vector<16xf32>
    tpu.vector_store %arg9[%swap3A_135], %swap3A_138 {strides = array<i32>} : memref<64xf32, #tpu.memory_space<vmem>>, vector<16xf32>,
    %mul3A_139 = arith.mulf %add3A_102, %get3A_131 : vector<16xf32>
    %mul3A_140 = arith.mulf %mul3A_72, %get3A_128 : vector<16xf32>
    %sub3A_141 = arith.subf %mul3A_139, %mul3A_140 : vector<16xf32>
    %swap3A_142 = arith.constant 16 : index
    %swap3A_143 = tpu.vector_load %arg10[%swap3A_142] {strides = array<i32>} : memref<64xf32, #tpu.memory_space<vmem>>, vector<16xf32>,
    %swap3A_144 = vector.shape_cast %swap3A_143 : vector<16xf32> to vector<16xf32>
    %swap3A_145 = vector.shape_cast %sub3A_141 : vector<16xf32> to vector<16xf32>
    tpu.vector_store %arg10[%swap3A_142], %swap3A_145 {strides = array<i32>} : memref<64xf32, #tpu.memory_space<vmem>>, vector<16xf32>,
    %get3A_146 = arith.constant 32 : index
    %get3A_147 = tpu.vector_load %arg7[%get3A_146] {strides = array<i32>} : memref<64xf32, #tpu.memory_space<vmem>>, vector<16xf32>,
    %get3A_148 = vector.shape_cast %get3A_147 : vector<16xf32> to vector<16xf32>
    %get3A_149 = arith.constant 32 : index
    %get3A_150 = tpu.vector_load %arg8[%get3A_149] {strides = array<i32>} : memref<64xf32, #tpu.memory_space<vmem>>, vector<16xf32>,
    %get3A_151 = vector.shape_cast %get3A_150 : vector<16xf32> to vector<16xf32>
    %mul3A_152 = arith.mulf %add3A_102, %get3A_148 : vector<16xf32>
    %mul3A_153 = arith.mulf %mul3A_72, %get3A_151 : vector<16xf32>
    %sub3A_154 = arith.subf %mul3A_152, %mul3A_153 : vector<16xf32>
    %swap3A_155 = arith.constant 32 : index
    %swap3A_156 = tpu.vector_load %arg9[%swap3A_155] {strides = array<i32>} : memref<64xf32, #tpu.memory_space<vmem>>, vector<16xf32>,
    %swap3A_157 = vector.shape_cast %swap3A_156 : vector<16xf32> to vector<16xf32>
    %swap3A_158 = vector.shape_cast %sub3A_154 : vector<16xf32> to vector<16xf32>
    tpu.vector_store %arg9[%swap3A_155], %swap3A_158 {strides = array<i32>} : memref<64xf32, #tpu.memory_space<vmem>>, vector<16xf32>,
    %mul3A_159 = arith.mulf %add3A_102, %get3A_151 : vector<16xf32>
    %mul3A_160 = arith.mulf %mul3A_72, %get3A_148 : vector<16xf32>
    %sub3A_161 = arith.subf %mul3A_159, %mul3A_160 : vector<16xf32>
    %swap3A_162 = arith.constant 32 : index
    %swap3A_163 = tpu.vector_load %arg10[%swap3A_162] {strides = array<i32>} : memref<64xf32, #tpu.memory_space<vmem>>, vector<16xf32>,
    %swap3A_164 = vector.shape_cast %swap3A_163 : vector<16xf32> to vector<16xf32>
    %swap3A_165 = vector.shape_cast %sub3A_161 : vector<16xf32> to vector<16xf32>
    tpu.vector_store %arg10[%swap3A_162], %swap3A_165 {strides = array<i32>} : memref<64xf32, #tpu.memory_space<vmem>>, vector<16xf32>,
    %get3A_166 = arith.constant 48 : index
    %get3A_167 = tpu.vector_load %arg7[%get3A_166] {strides = array<i32>} : memref<64xf32, #tpu.memory_space<vmem>>, vector<16xf32>,
    %get3A_168 = vector.shape_cast %get3A_167 : vector<16xf32> to vector<16xf32>
    %get3A_169 = arith.constant 48 : index
    %get3A_170 = tpu.vector_load %arg8[%get3A_169] {strides = array<i32>} : memref<64xf32, #tpu.memory_space<vmem>>, vector<16xf32>,
    %get3A_171 = vector.shape_cast %get3A_170 : vector<16xf32> to vector<16xf32>
    %mul3A_172 = arith.mulf %add3A_102, %get3A_168 : vector<16xf32>
    %mul3A_173 = arith.mulf %mul3A_72, %get3A_171 : vector<16xf32>
    %sub3A_174 = arith.subf %mul3A_172, %mul3A_173 : vector<16xf32>
    %swap3A_175 = arith.constant 48 : index
    %swap3A_176 = tpu.vector_load %arg9[%swap3A_175] {strides = array<i32>} : memref<64xf32, #tpu.memory_space<vmem>>, vector<16xf32>,
    %swap3A_177 = vector.shape_cast %swap3A_176 : vector<16xf32> to vector<16xf32>
    %swap3A_178 = vector.shape_cast %sub3A_174 : vector<16xf32> to vector<16xf32>
    tpu.vector_store %arg9[%swap3A_175], %swap3A_178 {strides = array<i32>} : memref<64xf32, #tpu.memory_space<vmem>>, vector<16xf32>,
    %mul3A_179 = arith.mulf %add3A_102, %get3A_171 : vector<16xf32>
    %mul3A_180 = arith.mulf %mul3A_72, %get3A_168 : vector<16xf32>
    %sub3A_181 = arith.subf %mul3A_179, %mul3A_180 : vector<16xf32>
    %swap3A_182 = arith.constant 48 : index
    %swap3A_183 = tpu.vector_load %arg10[%swap3A_182] {strides = array<i32>} : memref<64xf32, #tpu.memory_space<vmem>>, vector<16xf32>,
    %swap3A_184 = vector.shape_cast %swap3A_183 : vector<16xf32> to vector<16xf32>
    %swap3A_185 = vector.shape_cast %sub3A_181 : vector<16xf32> to vector<16xf32>
    tpu.vector_store %arg10[%swap3A_182], %swap3A_185 {strides = array<i32>} : memref<64xf32, #tpu.memory_space<vmem>>, vector<16xf32>,
    %dma_start3A_186 = tpu.memref_slice %arg4[%add3A_6] : memref<4096xf32, #tpu.memory_space<hbm>> -> memref<64xf32, #tpu.memory_space<hbm>>
    %dma_start3A_187 = tpu.memref_slice %arg4[%add3A_6] : memref<4096xf32, #tpu.memory_space<hbm>> -> memref<64xf32, #tpu.memory_space<hbm>>
    tpu.enqueue_dma source(%arg9 : memref<64xf32, #tpu.memory_space<vmem>>) target(%dma_start3A_187 : memref<64xf32, #tpu.memory_space<hbm>>) target_semaphore(%arg14 : memref<!tpu.dma_semaphore, #tpu.memory_space<semaphore_mem>>)
    %dma_start3A_188 = tpu.memref_slice %arg4[%add3A_10] : memref<4096xf32, #tpu.memory_space<hbm>> -> memref<64xf32, #tpu.memory_space<hbm>>
    %dma_start3A_189 = tpu.memref_slice %arg4[%add3A_10] : memref<4096xf32, #tpu.memory_space<hbm>> -> memref<64xf32, #tpu.memory_space<hbm>>
    tpu.enqueue_dma source(%arg10 : memref<64xf32, #tpu.memory_space<vmem>>) target(%dma_start3A_189 : memref<64xf32, #tpu.memory_space<hbm>>) target_semaphore(%arg14 : memref<!tpu.dma_semaphore, #tpu.memory_space<semaphore_mem>>)
    %dma_wait3A_190 = tpu.memref_slice %arg2[%mul3A_2] : memref<4096xf32, #tpu.memory_space<hbm>> -> memref<128xf32, #tpu.memory_space<hbm>>
    %dma_wait3A_191 = tpu.memref_slice %arg2[%mul3A_2] : memref<4096xf32, #tpu.memory_space<hbm>> -> memref<128xf32, #tpu.memory_space<hbm>>
    tpu.wait_dma2 semaphore(%arg13 : memref<!tpu.dma_semaphore, #tpu.memory_space<semaphore_mem>>) src(%dma_wait3A_191 : memref<128xf32, #tpu.memory_space<hbm>>) dst(%arg6 : memref<128xf32, #tpu.memory_space<vmem>>)
    %dma_start3A_192 = tpu.memref_slice %arg4[%mul3A_2] : memref<4096xf32, #tpu.memory_space<hbm>> -> memref<128xf32, #tpu.memory_space<hbm>>
    %dma_start3A_193 = tpu.memref_slice %arg4[%mul3A_2] : memref<4096xf32, #tpu.memory_space<hbm>> -> memref<128xf32, #tpu.memory_space<hbm>>
    tpu.enqueue_dma source(%arg6 : memref<128xf32, #tpu.memory_space<vmem>>) target(%dma_start3A_193 : memref<128xf32, #tpu.memory_space<hbm>>) target_semaphore(%arg14 : memref<!tpu.dma_semaphore, #tpu.memory_space<semaphore_mem>>)
    %dma_wait3A_194 = tpu.memref_slice %arg4[%add3A_6] : memref<4096xf32, #tpu.memory_space<hbm>> -> memref<64xf32, #tpu.memory_space<hbm>>
    %dma_wait3A_195 = tpu.memref_slice %arg4[%add3A_6] : memref<4096xf32, #tpu.memory_space<hbm>> -> memref<64xf32, #tpu.memory_space<hbm>>
    tpu.wait_dma2 semaphore(%arg14 : memref<!tpu.dma_semaphore, #tpu.memory_space<semaphore_mem>>) src(%arg9 : memref<64xf32, #tpu.memory_space<vmem>>) dst(%dma_wait3A_195 : memref<64xf32, #tpu.memory_space<hbm>>)
    %dma_wait3A_196 = tpu.memref_slice %arg4[%add3A_10] : memref<4096xf32, #tpu.memory_space<hbm>> -> memref<64xf32, #tpu.memory_space<hbm>>
    %dma_wait3A_197 = tpu.memref_slice %arg4[%add3A_10] : memref<4096xf32, #tpu.memory_space<hbm>> -> memref<64xf32, #tpu.memory_space<hbm>>
    tpu.wait_dma2 semaphore(%arg14 : memref<!tpu.dma_semaphore, #tpu.memory_space<semaphore_mem>>) src(%arg10 : memref<64xf32, #tpu.memory_space<vmem>>) dst(%dma_wait3A_197 : memref<64xf32, #tpu.memory_space<hbm>>)
    %dma_wait3A_198 = tpu.memref_slice %arg4[%mul3A_2] : memref<4096xf32, #tpu.memory_space<hbm>> -> memref<128xf32, #tpu.memory_space<hbm>>
    %dma_wait3A_199 = tpu.memref_slice %arg4[%mul3A_2] : memref<4096xf32, #tpu.memory_space<hbm>> -> memref<128xf32, #tpu.memory_space<hbm>>
    tpu.wait_dma2 semaphore(%arg14 : memref<!tpu.dma_semaphore, #tpu.memory_space<semaphore_mem>>) src(%arg6 : memref<128xf32, #tpu.memory_space<vmem>>) dst(%dma_wait3A_199 : memref<128xf32, #tpu.memory_space<hbm>>)
    return
  }
}

</mosaic_0001>

<sc_bundles>
// kernel: _cry_real.3.cloned.1.call-start
scs
__scs_entry_jumppad:
0x0: {  	(pc) =	sbr.rel $0x88, $3  }
0x1: {  	(tag) =	ssettag $0x0;
	lr =	simm.s32 $0x1  }
0x2: {  	[smem:$0x3F9F] =	sst lr;
	_ =	strace $0xD0000000  }
0x3: {  	_ = 	snop  }
0x4: {  	_ = 	snop  }
0x5: {  	_ = 	snop  }
0x6: {  	_ = 	snop  }
0x7: {  	_ = 	snop  }
__scs_overlays_trampoline_lowered:
0x8: {  	[smem:$0x3FAE] =	sst s0  }
0x9: {  	[smem:$0x3FAF] =	sst s1  }
0xa: {  	[smem:$0x3FB0] =	sst s2  }
0xb: {  	[smem:$0x3FB1] =	sst s3  }
0xc: {  	[smem:$0x3FB2] =	sst s4  }
0xd: {  	[smem:$0x3FB3] =	sst s5  }
0xe: {  	[smem:$0x3FB4] =	sst s6  }
0xf: {  	[smem:$0x3FB5] =	sst s7  }
0x10: {  	[smem:$0x3FB6] =	sst s8  }
0x11: {  	[smem:$0x3FB7] =	sst s9;
	s0 =	simm.s32 @!p0 $0x0  }
0x12: {  	s1 =	sld [smem:$0x3F9D];
	s0 =	simm.s32 @p0 $0x1  }
0x13: {  	[smem:$0x3FB8] =	sst s0;
	s0 =	simm.s32 @!p1 $0x0  }
0x14: {  	s2 =	sld [smem:$0x3F9C];
	s0 =	simm.s32 @p1 $0x1  }
0x15: {  	[smem:$0x3FB9] =	sst s0;
	s0 =	simm.s32 @!p2 $0x0  }
0x16: {  	s3 =	sld [smem:$0x3FDB];
	s0 =	simm.s32 @p2 $0x1  }
0x17: {  	s4 =	simm.s32 $0x1BF5;
	[smem:$0x3FBB] =	sst s0  }
0x18: {  	s0 =	sld [smem:$0x3F9E];
	_ =	swait.ge [sflag:s4], $0x0  }
0x19: {  	s7 =	sld [smem:$0x3F9F]  }
0x1a: {  	s8 =	sadd.s32 $0xFFFFE003, lr  }
0x1b: {  	s9 =	sadd.s32 $0xFFFFFEF7, lr;
	s5 =	simm.s32 $0xFFFFFFFF;
	p2 =	slt.u32 s8, $0xFFFFF086  }
0x1c: {  	p1 =	slt.u32 s9, $0xF7A;
	s5 =	simm.s32 @!p2 $0x0  }
0x1d: {  	s5 =	simm.s32 @p1 $0x1;
	p0 =	seq.s32 s7, s2  }
0x1e: {  	s7 =	smul.u32 @!p0 $0xF7A, s2;
	p2 =	seq.s32 @!p0 s5, $0x0  }
0x1f: {  	s9 =	smul.u32 $0xF7A, s1;
	s8 =	simm.s32 @!p0 $0x1BF5;
	p2 =	por !p2, p0  }
0x20: {  	[sflag:s8] =	ssyncset.s32 @!p0 $0xFFFFF086;
	s6 =	sadd.s32 @!p0 s3, s7;
	s7 =	simm.s32 @!p0 $0x108  }
0x21: {  	s3 =	sadd.s32 s3, s9;
	s6 =	sadd.s32 @!p0 $0x88, s6;
	s7 =	simm.s32 @p2 $0x1082  }
0x22: {  	[simem:s7], [sflag:s8] =	dma.local @!p0 [hbm:s6], $0xF7A  }
0x23: {  	s9 =	sor.u32 $0xD0000000, s2;
	s6 =	simm.s32 $0x108;
	_ =	swait.ge @!p0 [sflag:s8], $0x0  }
0x24: {  	s3 =	sadd.s32 $0x88, s3;
	s6 =	simm.s32 @!p1 $0x1082;
	[sflag:s4] =	ssyncset.s32 $0xFFFFF086  }
0x25: {  	[simem:s6], [sflag:s4] =	dma.local [hbm:s3], $0xF7A  }
0x26: {  	[smem:$0x3F9F] =	sst s1;
	(tag) =	ssettag s2;
	_ =	strace s9  }
0x27: {  	s1 =	sld [smem:$0x3FAF]  }
0x28: {  	s2 =	sld [smem:$0x3FB0]  }
0x29: {  	s4 =	sld [smem:$0x3FB2]  }
0x2a: {  	p0 =	seq.s32 s5, $0x0;
	s5 =	sld [smem:$0x3FB3]  }
0x2b: {  	s6 =	sld [smem:$0x3FB4]  }
0x2c: {  	s7 =	sld [smem:$0x3FB5]  }
0x2d: {  	s3 =	simm.s32 $0x108;
	s8 =	sld [smem:$0x3FB6]  }
0x2e: {  	s3 =	simm.s32 @!p0 $0x1082;
	s9 =	sld [smem:$0x3FB7]  }
0x2f: {  	lr =	sadd.s32 s0, s3;
	s0 =	sld [smem:$0x3FAE]  }
0x30: {  	s3 =	sld [smem:$0x3FB1]  }
0x31: {  	[smem:$0x3FBA] =	sst s10  }
0x32: {  	s10 =	sld [smem:$0x3FB8];
	_ =	sdelay $0x3  }
0x33: {  	p0 =	seq.s32 s10, $0x1;
	s10 =	sld [smem:$0x3FBA];
	_ =	sdelay $0x3  }
0x34: {  	[smem:$0x3FBA] =	sst s10  }
0x35: {  	s10 =	sld [smem:$0x3FB9];
	_ =	sdelay $0x3  }
0x36: {  	p1 =	seq.s32 s10, $0x1;
	s10 =	sld [smem:$0x3FBA];
	_ =	sdelay $0x3  }
0x37: {  	[smem:$0x3FBA] =	sst s10  }
0x38: {  	s10 =	sld [smem:$0x3FBB]  }
0x39: {  	_ = 	snop;
	(pc) =	sbr.ind lr, $3  }
0x3a: {  	_ = 	snop  }
0x3b: {  	_ = 	snop  }
0x3c: {  	p2 =	seq.s32 s10, $0x1;
	s10 =	sld [smem:$0x3FBA]  }
0x3d: {  	_ =	shalt  }
0x3e: {  	_ =	shalt  }
0x3f: {  	_ =	shalt  }
0x40: {  	_ =	shalt  }
0x41: {  	_ =	shalt  }
0x42: {  	_ =	shalt  }
0x43: {  	_ =	shalt  }
0x44: {  	_ =	shalt  }
0x45: {  	_ =	shalt  }
0x46: {  	_ =	shalt  }
0x47: {  	_ =	shalt  }
0x48: {  	_ =	shalt  }
0x49: {  	_ =	shalt  }
0x4a: {  	_ =	shalt  }
0x4b: {  	_ =	shalt  }
0x4c: {  	_ =	shalt  }
0x4d: {  	_ =	shalt  }
0x4e: {  	_ =	shalt  }
0x4f: {  	_ =	shalt  }
0x50: {  	_ =	shalt  }
0x51: {  	_ =	shalt  }
0x52: {  	_ =	shalt  }
0x53: {  	_ =	shalt  }
0x54: {  	_ =	shalt  }
0x55: {  	_ =	shalt  }
0x56: {  	_ =	shalt  }
0x57: {  	_ =	shalt  }
0x58: {  	_ =	shalt  }
0x59: {  	_ =	shalt  }
0x5a: {  	_ =	shalt  }
0x5b: {  	_ =	shalt  }
0x5c: {  	_ =	shalt  }
0x5d: {  	_ =	shalt  }
0x5e: {  	_ =	shalt  }
0x5f: {  	_ =	shalt  }
0x60: {  	_ =	shalt  }
0x61: {  	_ =	shalt  }
0x62: {  	_ =	shalt  }
0x63: {  	_ =	shalt  }
0x64: {  	_ =	shalt  }
0x65: {  	_ =	shalt  }
0x66: {  	_ =	shalt  }
0x67: {  	_ =	shalt  }
0x68: {  	_ =	shalt  }
0x69: {  	_ =	shalt  }
0x6a: {  	_ =	shalt  }
0x6b: {  	_ =	shalt  }
0x6c: {  	_ =	shalt  }
0x6d: {  	_ =	shalt  }
0x6e: {  	_ =	shalt  }
0x6f: {  	_ =	shalt  }
0x70: {  	_ =	shalt  }
0x71: {  	_ =	shalt  }
0x72: {  	_ =	shalt  }
0x73: {  	_ =	shalt  }
0x74: {  	_ =	shalt  }
0x75: {  	_ =	shalt  }
0x76: {  	_ =	shalt  }
0x77: {  	_ =	shalt  }
0x78: {  	_ =	shalt  }
0x79: {  	_ =	shalt  }
0x7a: {  	_ =	shalt  }
0x7b: {  	_ =	shalt  }
0x7c: {  	_ =	shalt  }
0x7d: {  	_ =	shalt  }
0x7e: {  	_ =	shalt  }
0x7f: {  	_ =	shalt  }
0x80: {  	_ =	shalt  }
0x81: {  	_ =	shalt  }
0x82: {  	_ =	shalt  }
0x83: {  	_ =	shalt  }
0x84: {  	_ =	shalt  }
0x85: {  	_ =	shalt  }
0x86: {  	_ =	shalt  }
0x87: {  	_ =	shalt  }
.Lfunc_end0:
.L_simem_size_0:
called_computation_lowered:
.L_overlay_start_0:
0x88: {  	s0 =	sld [smem:$0x3FD9]  }
0x89: {  	s1 =	sld [smem:$0x3FFE];
	_ =	sdelay $0x3  }
0x8a: {  	s0 =	sadd.s32 s1, s0  }
0x8b: {  	[smem:$0x3FC6] =	sst s0  }
0x8c: {  	_ = 	snop  }
0x8d: {  	s0 =	sld [smem:$0x3FC9]  }
0x8e: {  	s17 =	sld [smem:$0x3FC8]  }
0x8f: {  	s2 =	sld [smem:$0x3FD0];
	(tm) =	ssettm $0x1  }
0x90: {  	s3 =	sld [smem:$0x3FFB];
	_ =	sdelay $0x3  }
0x91: {  	_ =	strace s3  }
0x92: {  	s3 =	sld [smem:$0x3FFC];
	_ =	sdelay $0x3  }
0x93: {  	_ =	strace s3  }
0x94: {  	s3 =	sld [smem:$0x3FFD];
	_ =	sdelay $0x3  }
0x95: {  	_ =	strace s3  }
0x96: {  	_ =	strace $0x8FFFFFFF  }
0x97: {  	s18 =	sld [smem:$0x3FDB];
	_ =	sdelay $0x1  }
0x98: {  	s4 =	simm.s32 $_scs_section_size  }
0x99: {  	s5 =	simm.s32 $_size__tile_overlayer_lowered;
	s6 =	simm.s32 $_tile_overlayer_lowered  }
0x9a: {  	s21 =	simm.s32 $0x1BFF;
	s20 =	sshll.u32 s6, $0x1;
	s3 =	sadd.s32 s4, s18  }
0x9b: {  	s7 =	simm.s32 $0x0;
	s19 =	sshll.u32 s5, $0x1;
	s5 =	sadd.s32 s20, s3  }
0x9c: {  	[timem:s7], [sflag:s21] =	dma.local [hbm:s5], s19  }
0x9d: {  	_ =	swait.ge [sflag:s21], s19  }
0x9e: {  	s4 =	ssub.s32 $0x0, s19;
	[sflag:s21] =	ssyncset.done $0x0  }
0x9f: {  	[sflag:s21] =	ssyncadd.s32 s4;
	_ =	sdelay $0x1  }
0xa0: {  	s22 =	simm.s32 $0x1B8B  }
0xa1: {  	_ =	swait.ge [sflag:s22], $0x1  }
0xa2: {  	[sflag:s22] =	ssyncset.done $0x0  }
0xa3: {  	s23 =	simm.s32 $0x1B8E;
	[sflag:s22] =	ssyncadd.s32 $0xFFFFFFFF  }
0xa4: {  	s24 =	simm.s32 $execute0_lowered;
	[smem:$0x3FD2] =	sst s23  }
0xa5: {  	s4 =	sshll.u32 s24, $0x1;
	_ =	strace $0x80000046;
	[dreg:$0x1] =	wrdreg $0xFFFFFFFF  }
0xa6: {  	s25 =	simm.s32 $_size_execute0_lowered;
	s3 =	sadd.s32 s3, s4;
	[dreg:$0x0] =	wrdreg $0x0  }
0xa7: {  	s4 =	sshll.u32 s25, $0x1;
	[dreg:$0x2] =	wrdreg s3  }
0xa8: {  	[dreg:$0x3] =	wrdreg s4  }
0xa9: {  	[dreg:$0x4] =	wrdreg $0xC0  }
0xaa: {  	_ =	task [dreg:s7], $0x5FFFF  }
0xab: {  	[dreg:$0x1] =	wrdreg $0xFFFFFFFF  }
0xac: {  	[dreg:$0x0] =	wrdreg $0x60  }
0xad: {  	[dreg:$0x2] =	wrdreg s0  }
0xae: {  	[dreg:$0x3] =	wrdreg s17  }
0xaf: {  	[dreg:$0x4] =	wrdreg s2  }
0xb0: {  	[dreg:$0x5] =	wrdreg $0x9  }
0xb1: {  	_ =	task.clear_ibuf [dreg:s7], $0x6FFFF;
	_ =	strace $0x90000046  }
0xb2: {  	s26 =	simm.s32 $0x9;
	_ =	strace $0x80000048  }
0xb3: {  	_ =	swait.ge [sflag:s26], $0x1  }
0xb4: {  	[sflag:s26] =	ssyncadd.s32 $0xFFFFFFFF  }
0xb5: {  	_ =	strace $0x90000048  }
0xb6: {  	_ =	sfence  }
0xb7: {  	s28 =	sld [smem:$0x0];
	_ =	sdelay $0x1  }
0xb8: {  	s29 =	srdreg.scid  }
0xb9: {  	s30 =	sshll.u32 s29, $0xD;
	s31 =	sshrl.u32 s29, $0x2  }
0xba: {  	s1 =	sand.u32 $0x1, s29;
	s2 =	sand.u32 $0x4000, s30;
	s0 =	sadd.s32 s31, s28  }
0xbb: {  	s1 =	sor.u32 s2, s1;
	s0 =	sshll.u32 s0, $0x11  }
0xbc: {  	s0 =	sor.u32 s0, s1  }
0xbd: {  	s0 =	sadd.s32 $0x8F2B, s0  }
0xbe: {  	[sflag:s0] =	ssyncadd.remote.s32 $0x1  }
0xbf: {  	_ =	sfence.sel $0xFFFF  }
0xc0: {  	[dreg:$0x0] =	wrdreg $0xFFFFFFFF;
	(pc) =	sbr.abs _section_cstart, $3  }
0xc1: {  	[dreg:$0x1] =	wrdreg $0xFFFFFFFF  }
0xc2: {  	_ =	task.clear_ibuf [dreg:s7], $0x2FFFF;
	_ =	strace $0x9FFFFFFF  }
0xc3: {  	(tm) =	ssettm $0x7FFFFFFF  }
tec
execute0_lowered:
.L_overlay_start_1:
0x0: {  	(tag) =	ssettag $0x1  }
0x1: {  	s6 =	rddreg [dreg:$0x0]  }
0x2: {  	s8 =	rddreg [dreg:$0x1]  }
0x3: {  	s2 =	rddreg [dreg:$0x2];
	s1 =	stileid.u32  }
0x4: {  	s0 =	rddreg [dreg:$0x3];
	s3 =	simm.s32 $0x0;
	s4 =	sshll.u32 s1, $0x3  }
0x5: {  	s9 =	simm.s32 $0x100;
	[smem:$0x7FF] =	sst s3;
	s7 =	sor.u32 $0x100, s4  }
0x6: {  	_ =	strace $0x80000047;
	s4 =	sor.u32 $0x180, s4;
	s5 =	sadd.s32 s6, s7  }
0x7: {  	[tilespmem:s9], [sflag:$0x2] =	stream.linear.gather [hbm4b:s5+s3], $0x40, $0x38;
	[tilespmem:$0x300] =	vst v63  }
0x8: {  	s21 =	simm.s32 $0x180;
	s20 =	sadd.s32 s6, s4  }
0x9: {  	[tilespmem:s21], [sflag:$0x2] =	stream.linear.gather [hbm4b:s20+s3], $0x40, $0x38;
	[tilespmem:$0x300] =	vst v63  }
0xa: {  	s22 =	sshll.u32 s1, $0x4  }
0xb: {  	[tilespmem:s3], [sflag:$0x1] =	stream.linear.gather [hbm4b:s8+s3], $0x1, $0x38;
	[tilespmem:$0x300] =	vst v63  }
0xc: {  	s24 =	simm.s32 $0x80;
	s25 =	simm.s32 $0x1;
	s23 =	sadd.s32 s6, s22  }
0xd: {  	[tilespmem:s24], [sflag:$0x3] =	stream.linear.gather [hbm4b:s23+s3], $0x80, $0x38;
	[tilespmem:$0x300] =	vst v63  }
0xe: {  	_ =	swait.ge [sflag:s25], $0x1  }
0xf: {  	[sflag:s25] =	ssyncset.done $0x0  }
0x10: {  	[sflag:s25] =	ssyncadd.s32 $0xFFFFFFFF  }
0x11: {  	v0 =	vld [tilespmem:$0x0];
	_ =	sdelay $0x3  }
0x12: {  	v1 =	vimm.s32 $0x0  }
0x13: {  	v0 =	vperm.xlane v0, v1;
	_ =	sdelay $0x1  }
0x14: {  	v0 =	vmul.f32 $5.000000000e-01, v0;
	_ =	sdelay $0x1  }
0x15: {  	v49 =	vmul.f32 $1.591549370e-01, v0;
	_ =	sdelay $0x1  }
0x16: {  	v2 =	vimm.f32 $-5.000000000e-01;
	vm0 =	vge.f32 v49, $0.0e+00  }
0x17: {  	v2 =	vsel vm0, $0x3F000000, v2  }
0x18: {  	v1 =	vadd.f32 v2, v49;
	_ =	sdelay $0x1  }
0x19: {  	v1 =	vtrunc.f32 v1  }
0x1a: {  	v1 =	vcvt.f32.s32 v1;
	_ =	sdelay $0x1  }
0x1b: {  	v1 =	vcvt.s32.f32 v1;
	_ =	sdelay $0x1  }
0x1c: {  	v1 =	vmul.f32 $-6.283185480e+00, v1;
	_ =	sdelay $0x1  }
0x1d: {  	v0 =	vadd.f32 v1, v0;
	_ =	sdelay $0x1  }
0x1e: {  	v1 =	vmul.f32 v0, v0;
	_ =	sdelay $0x1  }
0x1f: {  	v50 =	vmul.f32 $-1.147074540e-11, v1;
	_ =	sdelay $0x1  }
0x20: {  	v3 =	vmul.f32 $1.605904440e-10, v1;
	v2 =	vadd.f32 $2.087675590e-09, v50;
	_ =	sdelay $0x1  }
0x21: {  	v3 =	vadd.f32 $-2.505210790e-08, v3;
	v2 =	vmul.f32 v2, v1;
	_ =	sdelay $0x1  }
0x22: {  	v3 =	vmul.f32 v3, v1;
	v2 =	vadd.f32 $-2.755732000e-07, v2;
	_ =	sdelay $0x1  }
0x23: {  	v3 =	vadd.f32 $2.755731880e-06, v3;
	v2 =	vmul.f32 v2, v1;
	_ =	sdelay $0x1  }
0x24: {  	v3 =	vmul.f32 v3, v1;
	v2 =	vadd.f32 $2.480158760e-05, v2;
	_ =	sdelay $0x1  }
0x25: {  	v3 =	vadd.f32 $-1.984127010e-04, v3;
	v2 =	vmul.f32 v2, v1;
	_ =	sdelay $0x1  }
0x26: {  	v3 =	vmul.f32 v3, v1;
	v2 =	vadd.f32 $-1.388888920e-03, v2  }
0x27: {  	s26 =	simm.s32 $0x2  }
0x28: {  	_ =	swait.ge [sflag:s26], $0x40;
	v3 =	vadd.f32 $8.333333770e-03, v3;
	v2 =	vmul.f32 v2, v1  }
0x29: {  	[sflag:s26] =	ssyncset.done $0x0  }
0x2a: {  	[sflag:s26] =	ssyncadd.s32 $0xFFFFFFC0;
	v3 =	vmul.f32 v3, v1;
	v2 =	vadd.f32 $4.166666790e-02, v2  }
0x2b: {  	_ =	swait.ge [sflag:s26], $0x40  }
0x2c: {  	[sflag:s26] =	ssyncset.done $0x0;
	v3 =	vadd.f32 $-1.666666720e-01, v3;
	v2 =	vmul.f32 v2, v1  }
0x2d: {  	[sflag:s26] =	ssyncadd.s32 $0xFFFFFFC0  }
0x2e: {  	v4 =	vld [tilespmem:$0x100];
	v3 =	vmul.f32 v3, v1;
	v2 =	vadd.f32 $-5.000000000e-01, v2  }
0x2f: {  	v5 =	vld [tilespmem:$0x180]  }
0x30: {  	v51 =	vld [tilespmem:$0x110];
	v3 =	vadd.f32 $1.000000000e+00, v3;
	v1 =	vmul.f32 v2, v1  }
0x31: {  	v6 =	vld [tilespmem:$0x190]  }
0x32: {  	v52 =	vld [tilespmem:$0x120];
	v0 =	vmul.f32 v3, v0;
	v1 =	vadd.f32 $1.000000000e+00, v1  }
0x33: {  	v7 =	vld [tilespmem:$0x1A0]  }
0x34: {  	v10 =	vld [tilespmem:$0x130];
	v9 =	vmul.f32 v0, v5;
	v8 =	vmul.f32 v1, v4  }
0x35: {  	v11 =	vld [tilespmem:$0x1B0];
	v5 =	vmul.f32 v1, v5;
	v4 =	vmul.f32 v0, v4  }
0x36: {  	v12 =	vmul.f32 v0, v6;
	v53 =	vmul.f32 v1, v51;
	v8 =	vsub.f32 v8, v9  }
0x37: {  	v2 =	vmul.f32 v0, v51;
	v54 =	vmul.f32 v1, v6;
	v4 =	vsub.f32 v5, v4  }
0x38: {  	v57 =	vmul.f32 v0, v7;
	v56 =	vmul.f32 v1, v52;
	v55 =	vsub.f32 v53, v12;
	[tilespmem:$0x200] =	vst v8  }
0x39: {  	v3 =	vmul.f32 v0, v52;
	v58 =	vmul.f32 v1, v7;
	v2 =	vsub.f32 v54, v2;
	[tilespmem:$0x280] =	vst v4  }
0x3a: {  	v61 =	vmul.f32 v0, v11;
	v60 =	vmul.f32 v1, v10;
	v59 =	vsub.f32 v56, v57;
	[tilespmem:$0x210] =	vst v55  }
0x3b: {  	v1 =	vmul.f32 v1, v11;
	v0 =	vmul.f32 v0, v10;
	v62 =	vsub.f32 v58, v3;
	[tilespmem:$0x290] =	vst v2  }
0x3c: {  	v63 =	vsub.f32 v60, v61;
	[tilespmem:$0x220] =	vst v59  }
0x3d: {  	v0 =	vsub.f32 v1, v0;
	[tilespmem:$0x2A0] =	vst v62  }
0x3e: {  	[tilespmem:$0x230] =	vst v63  }
0x3f: {  	s28 =	simm.s32 $0x200;
	s7 =	sadd.s32 s2, s7;
	[tilespmem:$0x2B0] =	vst v0  }
0x40: {  	[hbm4b:s7+s3] =	stream.linear.scatter [tilespmem:s28], [sflag:$0x4], $0x40, $0x38;
	[tilespmem:$0x300] =	vst v63  }
0x41: {  	s29 =	simm.s32 $0x280;
	s30 =	simm.s32 $0x3;
	s4 =	sadd.s32 s2, s4  }
0x42: {  	[hbm4b:s4+s3] =	stream.linear.scatter [tilespmem:s29], [sflag:$0x4], $0x40, $0x38;
	[tilespmem:$0x300] =	vst v63  }
0x43: {  	_ =	swait.ge [sflag:s30], $0x80  }
0x44: {  	[sflag:s30] =	ssyncset.done $0x0  }
0x45: {  	s31 =	simm.s32 $0x4;
	s2 =	sadd.s32 s2, s22;
	[sflag:s30] =	ssyncadd.s32 $0xFFFFFF80  }
0x46: {  	[hbm4b:s2+s3] =	stream.linear.scatter [tilespmem:s24], [sflag:$0x4], $0x80, $0x38;
	[tilespmem:$0x300] =	vst v63  }
0x47: {  	_ =	swait.ge [sflag:s31], $0x40  }
0x48: {  	[sflag:s31] =	ssyncset.done $0x0  }
0x49: {  	[sflag:s31] =	ssyncadd.s32 $0xFFFFFFC0  }
0x4a: {  	_ =	swait.ge [sflag:s31], $0x40  }
0x4b: {  	[sflag:s31] =	ssyncset.done $0x0  }
0x4c: {  	[sflag:s31] =	ssyncadd.s32 $0xFFFFFFC0  }
0x4d: {  	_ =	swait.ge [sflag:s31], $0x80  }
0x4e: {  	[sflag:s31] =	ssyncset.done $0x0  }
0x4f: {  	[sflag:s31] =	ssyncadd.s32 $0xFFFFFF80  }
0x50: {  	_ =	sfence.sel $0x180000  }
0x51: {  	[bflag:$0x0] =	sbarrier.arrive $0xFFFF  }
0x52: {  	p0 =	sne.s32 s1, $0x0;
	_ =	strace $0x90000047  }
0x53: {  	s0 =	sadd.s32 @!p0 $0x100000, s0;
	[bflag:$0x2] =	sbarrier.arrive $0xFFFF  }
0x54: {  	[sflag:s0] =	ssyncadd.tile.s32 @!p0 $0x1;
	_ =	shalt  }
.Lfunc_end2:
_tile_overlayer_lowered:
.L_overlay_start_2:
0x55: {  	(tag) =	ssettag $0x2  }
0x56: {  	s0 =	rddreg [dreg:$0x0];
	s2 =	stileid.u32  }
0x57: {  	s1 =	rddreg [dreg:$0x1];
	p0 =	sne.s32 s2, $0x0  }
0x58: {  	s3 =	rddreg [dreg:$0x2];
	[bflag:$0x3] =	sbarrier.arrive $0xFFFF;
	s2 =	simm.s32 @!p0 $0x1C05  }
0x59: {  	[timem:s3], [sflag:s2] =	dma.local @!p0 [hbm:s0], s1  }
0x5a: {  	s0 =	simm.s32 @!p0 $0x5  }
0x5b: {  	_ =	swait.ge @!p0 [sflag:s0], s1  }
0x5c: {  	s1 =	ssub.s32 @!p0 $0x0, s1;
	[sflag:s0] =	ssyncset.done @!p0 $0x0  }
0x5d: {  	[sflag:s0] =	ssyncadd.s32 @!p0 s1  }
0x5e: {  	[bflag:$0x3] =	sbarrier.arrive $0xFFFF  }
0x5f: {  	_ =	shalt  }

</sc_bundles>
